<compile_context>
chip_gen: v7x
topology: tpu7x:2x2x1
jax: 0.10.2.dev20260603
libtpu: 0.0.44.dev20260713+nightly
codegen_flags: <defaults>
</compile_context>

<pallas_src>
import jax
import jax.numpy as jnp
from jax import lax
from jax.experimental import pallas as pl
from jax.experimental.pallas import tpu as pltpu
from jax.experimental.pallas import tpu_sc as plsc

_N = 100000
_NS = 128
_NV = 32
_G = 256
_B = 12800

_NC = 2
_NT = 16
_L = 16
_GP = 272
_C = 3136
_CV = _C // _L


def _tc_body(feats_ref, batch_ref, W1_ref, b1_ref, W2_ref, b2_ref, Wf3_ref,
             forces_ref, acc_ref):
    i = pl.program_id(0)
    feats = feats_ref[...]
    scal = feats[:_NS, :]
    contract00 = (((0,), (0,)), ((), ()))
    h = lax.dot_general(W1_ref[...], scal, contract00) + b1_ref[...]
    h = h * jax.nn.sigmoid(h)
    e = lax.dot_general(W2_ref[...], h, contract00) + b2_ref[...]
    vecs = feats[_NS:, :]
    forces_ref[...] = lax.dot_general(Wf3_ref[...], vecs, contract00)

    col = jax.lax.broadcasted_iota(jnp.int32, (1, _B), 1)
    e = jnp.where(col < (_N - i * _B), e, 0.0)

    b = batch_ref[0, 0, :]
    oh = (jax.lax.broadcasted_iota(jnp.int32, (_G, _B), 0)
          == b[None, :]).astype(jnp.float32)
    partial = lax.dot_general(oh, e, (((1,), (1,)), ((), ())))

    @pl.when(i == 0)
    def _():
        acc_ref[...] = jnp.zeros_like(acc_ref)
    acc_ref[...] += partial


def _sc_counts_body(batch_hbm, n_out, idx_v, acc_n, red_v, tmp_v, shr_n):
    cid = lax.axis_index("c")
    sid = lax.axis_index("s")
    wid = sid * _NC + cid
    base = jnp.minimum(wid * _C, _N - _C)
    valid_from = wid * _C - base

    pltpu.sync_copy(batch_hbm.at[pl.ds(base, _C)], idx_v)

    zeros = jnp.zeros((_L,), jnp.float32)
    ones = jnp.ones((_L,), jnp.float32)
    lane = lax.iota(jnp.int32, _L)
    lane_off = lane * _GP

    def zero_col(c, _):
        acc_n[pl.ds(c * _L, _L)] = zeros
        return 0
    lax.fori_loop(0, (_L * _GP) // _L, zero_col, 0)

    def scat(j, _):
        b = idx_v[pl.ds(j * _L, _L)]
        mask = (j * _L + lane) >= valid_from
        plsc.addupdate_scatter(acc_n, [lane_off + b], ones, mask=mask)
        return 0
    lax.fori_loop(0, _CV, scat, 0)

    def lane_red_col(c, _):
        s = acc_n[pl.ds(c * _L, _L)]
        for r in range(1, _L):
            s = s + acc_n[pl.ds(r * _GP + c * _L, _L)]
        red_v[pl.ds(c * _L, _L)] = s
        return 0
    lax.fori_loop(0, _GP // _L, lane_red_col, 0)
    pltpu.sync_copy(red_v, shr_n.at[pl.ds(sid * _GP, _GP)])
    plsc.subcore_barrier()

    @pl.when(sid == 0)
    def _():
        pltpu.sync_copy(shr_n, tmp_v)

        def tile_red_col(c, _):
            s = tmp_v[pl.ds(c * _L, _L)]
            for r in range(1, _NT):
                s = s + tmp_v[pl.ds(r * _GP + c * _L, _L)]
            red_v[pl.ds(c * _L, _L)] = s
            return 0
        lax.fori_loop(0, _G // _L, tile_red_col, 0)
        pltpu.sync_copy(red_v.at[pl.ds(0, _G)], n_out.at[cid])


@jax.jit
def _sc_counts(batch_i32):
    run = pl.kernel(
        _sc_counts_body,
        mesh=plsc.VectorSubcoreMesh(core_axis_name="c",
                                    subcore_axis_name="s"),
        out_type=jax.ShapeDtypeStruct((_NC, _G), jnp.float32),
        scratch_types=[
            pltpu.VMEM((_C,), jnp.int32),
            pltpu.VMEM((_L * _GP,), jnp.float32),
            pltpu.VMEM((_GP,), jnp.float32),
            pltpu.VMEM((_NT * _GP,), jnp.float32),
            pltpu.VMEM_SHARED((_NT * _GP,), jnp.float32),
        ],
        compiler_params=pltpu.CompilerParams(needs_layout_passes=False),
    )
    return run(batch_i32)


def kernel(node_feats, batch, W1, b1, W2, b2, Wf):
    n, feat_dim = node_feats.shape
    nsteps = (n + _B - 1) // _B
    batch32 = batch.astype(jnp.int32)
    n_parts = _sc_counts(batch32)

    wf3 = (Wf[:, None, None] * jnp.eye(3, dtype=Wf.dtype)).reshape(3 * _NV, 3)

    run = pl.pallas_call(
        _tc_body,
        grid=(nsteps,),
        in_specs=[
            pl.BlockSpec((feat_dim, _B), lambda i: (0, i)),
            pl.BlockSpec((1, 1, _B), lambda i: (i, 0, 0)),
            pl.BlockSpec((_NS, 64), lambda i: (0, 0)),
            pl.BlockSpec((64, 1), lambda i: (0, 0)),
            pl.BlockSpec((64, 1), lambda i: (0, 0)),
            pl.BlockSpec((1, 1), lambda i: (0, 0)),
            pl.BlockSpec((3 * _NV, 3), lambda i: (0, 0)),
        ],
        out_specs=[
            pl.BlockSpec((3, _B), lambda i: (0, i)),
            pl.BlockSpec((_G, 1), lambda i: (0, 0)),
        ],
        out_shape=[
            jax.ShapeDtypeStruct((3, n), jnp.float32),
            jax.ShapeDtypeStruct((_G, 1), jnp.float32),
        ],
    )
    batch_grid = jnp.pad(batch32, (0, nsteps * _B - n),
                         constant_values=2 * _G).reshape(nsteps, 1, _B)
    forces_t, acc = run(node_feats.T, batch_grid, W1, b1.reshape(64, 1),
                        W2, b2.reshape(1, 1), wf3)

    return acc[:, 0], forces_t.T, n_parts.sum(axis=0)

# --- scband reference (transcript-rebuilt; emitter-appended) ---
"""Pipeline reference for scband-direct-forces-head-15848429322580 (READ-ONLY COPY).

The authoritative reference and input builder live on the scoring server;
editing this copy changes nothing except your own understanding.
"""

import jax, jax.numpy as jnp
import numpy as np

N = 100000
NUM_SCALARS = 128
NUM_VECS = 32
HIDDEN = 64
NUM_GRAPHS = 256
FEAT_DIM = NUM_SCALARS + 3 * NUM_VECS


def setup_inputs(seed: int = 0) -> dict:
    key = jax.random.key(seed)
    ks = jax.random.split(key, 6)
    node_feats = jax.random.normal(ks[0], (N, FEAT_DIM), dtype=jnp.float32)
    batch = jnp.sort(jax.random.randint(ks[1], (N,), 0, NUM_GRAPHS)).astype(jnp.int64)
    # ScalarReadout MLP params: Linear(128->64), SiLU, Linear(64->1)
    W1 = jax.random.normal(ks[2], (NUM_SCALARS, HIDDEN), dtype=jnp.float32) / np.sqrt(NUM_SCALARS)
    b1 = jnp.zeros((HIDDEN,), dtype=jnp.float32)
    W2 = jax.random.normal(ks[3], (HIDDEN, 1), dtype=jnp.float32) / np.sqrt(HIDDEN)
    b2 = jnp.zeros((1,), dtype=jnp.float32)
    # EquivariantLinear '32x1o' -> '1x1o': per-m-component mixing of vector channels
    Wf = jax.random.normal(ks[4], (NUM_VECS,), dtype=jnp.float32) / np.sqrt(NUM_VECS)
    return {"node_feats": node_feats, "batch": batch, "W1": W1, "b1": b1, "W2": W2, "b2": b2, "Wf": Wf}


def reference(node_feats, batch, W1, b1, W2, b2, Wf):
    # Scalar readout on l=0 channels -> per-atom energy
    scalars = node_feats[:, :NUM_SCALARS]
    h = jax.nn.silu(scalars @ W1 + b1)
    node_energies = (h @ W2 + b2)[:, 0]
    # scatter(node_energies, batch, reduce='sum') -> per-graph energy
    energy = jax.ops.segment_sum(node_energies, batch, num_segments=NUM_GRAPHS)
    # EquivariantLinear: mix 32 l=1 vector channels down to 1 vector -> forces [N, 3]
    vecs = node_feats[:, NUM_SCALARS:].reshape(node_feats.shape[0], NUM_VECS, 3)
    forces = jnp.einsum('nvi,v->ni', vecs, Wf)
    # num_atoms per graph
    num_atoms = jax.ops.segment_sum(jnp.ones_like(node_energies), batch, num_segments=NUM_GRAPHS)
    return (energy, forces, num_atoms)

if __name__ == "__main__":
    import jax
    _d = setup_inputs()
    print(jax.jit(kernel)(*tuple(_d.values())))

</pallas_src>

<mosaic_0001>
#map = affine_map<(d0, d1) -> (0)>
#map1 = affine_map<(d0, d1) -> (0, 0)>
module attributes {stable_mosaic.version = 14 : i64} {
  func.func @_sc_counts_body(%arg0: i32, %arg1: i32, %arg2: memref<100000xi32, #tpu.memory_space<hbm>>, %arg3: memref<2x256xf32, #tpu.memory_space<hbm>>, %arg4: memref<3136xi32, #tpu.memory_space<vmem>>, %arg5: memref<4352xf32, #tpu.memory_space<vmem>>, %arg6: memref<272xf32, #tpu.memory_space<vmem>>, %arg7: memref<4352xf32, #tpu.memory_space<vmem>>, %arg8: memref<4352xf32, #tpu.memory_space<vmem_shared>>) attributes {dimension_semantics = [#tpu.dimension_semantics<core_parallel>, #tpu.dimension_semantics<subcore_parallel>], iteration_bounds = array<i64: 2, 16>, scalar_prefetch = 0 : i64, scratch_operands = 5 : i64, tpu.core_type = #tpu.core_type<sc_vector_subcore>, window_params = [{transform_indices = #map}, {transform_indices = #map1}]} {
    %mul3A = arith.constant 2 : i32
    %mul3A_0 = arith.muli %arg1, %mul3A : i32
    %add3A = arith.addi %mul3A_0, %arg0 : i32
    %mul3A_1 = arith.constant 3136 : i32
    %mul3A_2 = arith.muli %add3A, %mul3A_1 : i32
    %min3A = arith.constant 96864 : i32
    %min3A_3 = arith.minsi %mul3A_2, %min3A : i32
    %mul3A_4 = arith.constant 3136 : i32
    %mul3A_5 = arith.muli %add3A, %mul3A_4 : i32
    %sub3A = arith.subi %mul3A_5, %min3A_3 : i32
    "tpu.region"() ({
      %run_scoped3A = tpu.sem_alloc : memref<!tpu.dma_semaphore, #tpu.memory_space<semaphore_mem>>
      %dma_start3A = tpu.memref_slice %arg2[%min3A_3] : memref<100000xi32, #tpu.memory_space<hbm>> -> memref<3136xi32, #tpu.memory_space<hbm>>
      %dma_start3A_36 = tpu.memref_slice %arg2[%min3A_3] : memref<100000xi32, #tpu.memory_space<hbm>> -> memref<3136xi32, #tpu.memory_space<hbm>>
      tpu.enqueue_dma source(%dma_start3A_36 : memref<3136xi32, #tpu.memory_space<hbm>>) target(%arg4 : memref<3136xi32, #tpu.memory_space<vmem>>) target_semaphore(%run_scoped3A : memref<!tpu.dma_semaphore, #tpu.memory_space<semaphore_mem>>)
      %dma_wait3A = tpu.memref_slice %arg2[%min3A_3] : memref<100000xi32, #tpu.memory_space<hbm>> -> memref<3136xi32, #tpu.memory_space<hbm>>
      %dma_wait3A_37 = tpu.memref_slice %arg2[%min3A_3] : memref<100000xi32, #tpu.memory_space<hbm>> -> memref<3136xi32, #tpu.memory_space<hbm>>
      tpu.wait_dma2 semaphore(%run_scoped3A : memref<!tpu.dma_semaphore, #tpu.memory_space<semaphore_mem>>) src(%dma_wait3A_37 : memref<3136xi32, #tpu.memory_space<hbm>>) dst(%arg4 : memref<3136xi32, #tpu.memory_space<vmem>>)
      tpu.yield
    }) : () -> ()
    %broadcast_in_dim3A = arith.constant 0.000000e+00 : f32
    %broadcast_in_dim3A_6 = vector.broadcast %broadcast_in_dim3A : f32 to vector<16xf32>
    %broadcast_in_dim3A_7 = arith.constant 1.000000e+00 : f32
    %broadcast_in_dim3A_8 = vector.broadcast %broadcast_in_dim3A_7 : f32 to vector<16xf32>
    %iota3A = tpu.iota {dimensions = array<i32: 0>} : vector<16xi32>
    %mul3A_9 = arith.constant 272 : i32
    %mul3A_10 = vector.broadcast %mul3A_9 : i32 to vector<16xi32>
    %mul3A_11 = arith.muli %iota3A, %mul3A_10 : vector<16xi32>
    %scan3A = arith.constant 0 : i32
    %scan3A_12 = arith.constant 0 : i32
    %scan3A_13 = arith.constant 272 : i32
    %scan3A_14 = arith.addi %scan3A_12, %scan3A_13 : i32
    %scan3A_15 = arith.constant 1 : i32
    %scan3A_16 = scf.for %scan3A_36 = %scan3A_12 to %scan3A_14 step %scan3A_15 iter_args(%scan3A_37 = %scan3A) -> (i32)  : i32 {
      %mul3A_38 = arith.constant 16 : i32
      %mul3A_39 = arith.muli %scan3A_36, %mul3A_38 : i32
      %swap3A = arith.index_cast %mul3A_39 : i32 to index
      %swap3A_40 = tpu.vector_load %arg5[%swap3A] {strides = array<i32>} : memref<4352xf32, #tpu.memory_space<vmem>>, vector<16xf32>,
      tpu.vector_store %arg5[%swap3A], %broadcast_in_dim3A_6 {strides = array<i32>} : memref<4352xf32, #tpu.memory_space<vmem>>, vector<16xf32>,
      %scan3A_41 = arith.constant 0 : i32
      scf.yield %scan3A_41 : i32
    }
    %scan3A_17 = arith.constant 272 : i32
    %scan3A_18 = arith.constant 0 : i32
    %scan3A_19 = arith.constant 0 : i32
    %scan3A_20 = arith.constant 196 : i32
    %scan3A_21 = arith.addi %scan3A_19, %scan3A_20 : i32
    %scan3A_22 = arith.constant 1 : i32
    %scan3A_23 = scf.for %scan3A_36 = %scan3A_19 to %scan3A_21 step %scan3A_22 iter_args(%scan3A_37 = %scan3A_18) -> (i32)  : i32 {
      %mul3A_38 = arith.constant 16 : i32
      %mul3A_39 = arith.muli %scan3A_36, %mul3A_38 : i32
      %get3A = arith.index_cast %mul3A_39 : i32 to index
      %get3A_40 = tpu.vector_load %arg4[%get3A] {strides = array<i32>} : memref<3136xi32, #tpu.memory_space<vmem>>, vector<16xi32>,
      %mul3A_41 = arith.constant 16 : i32
      %mul3A_42 = arith.muli %scan3A_36, %mul3A_41 : i32
      %add3A_43 = vector.broadcast %mul3A_42 : i32 to vector<16xi32>
      %add3A_44 = arith.addi %add3A_43, %iota3A : vector<16xi32>
      %ge3A = vector.broadcast %sub3A : i32 to vector<16xi32>
      %ge3A_45 = arith.cmpi sge, %add3A_44, %ge3A : vector<16xi32>
      %add3A_46 = arith.addi %mul3A_11, %get3A_40 : vector<16xi32>
      tpu.vector_store_idx %arg5[%add3A_46], %broadcast_in_dim3A_8 masked %ge3A_45 {add = true} : memref<4352xf32, #tpu.memory_space<vmem>>[vector<16xi32>], vector<16xf32>, vector<16xi1>
      %scan3A_47 = arith.constant 0 : i32
      scf.yield %scan3A_47 : i32
    }
    %scan3A_24 = arith.constant 196 : i32
    %scan3A_25 = arith.constant 0 : i32
    %scan3A_26 = arith.constant 0 : i32
    %scan3A_27 = arith.constant 17 : i32
    %scan3A_28 = arith.addi %scan3A_26, %scan3A_27 : i32
    %scan3A_29 = arith.constant 1 : i32
    %scan3A_30 = scf.for %scan3A_36 = %scan3A_26 to %scan3A_28 step %scan3A_29 iter_args(%scan3A_37 = %scan3A_25) -> (i32)  : i32 {
      %mul3A_38 = arith.constant 16 : i32
      %mul3A_39 = arith.muli %scan3A_36, %mul3A_38 : i32
      %get3A = arith.index_cast %mul3A_39 : i32 to index
      %get3A_40 = tpu.vector_load %arg5[%get3A] {strides = array<i32>} : memref<4352xf32, #tpu.memory_space<vmem>>, vector<16xf32>,
      %mul3A_41 = arith.constant 16 : i32
      %mul3A_42 = arith.muli %scan3A_36, %mul3A_41 : i32
      %add3A_43 = arith.constant 272 : i32
      %add3A_44 = arith.addi %add3A_43, %mul3A_42 : i32
      %get3A_45 = arith.index_cast %add3A_44 : i32 to index
      %get3A_46 = tpu.vector_load %arg5[%get3A_45] {strides = array<i32>} : memref<4352xf32, #tpu.memory_space<vmem>>, vector<16xf32>,
      %add3A_47 = arith.addf %get3A_40, %get3A_46 : vector<16xf32>
      %mul3A_48 = arith.constant 16 : i32
      %mul3A_49 = arith.muli %scan3A_36, %mul3A_48 : i32
      %add3A_50 = arith.constant 544 : i32
      %add3A_51 = arith.addi %add3A_50, %mul3A_49 : i32
      %get3A_52 = arith.index_cast %add3A_51 : i32 to index
      %get3A_53 = tpu.vector_load %arg5[%get3A_52] {strides = array<i32>} : memref<4352xf32, #tpu.memory_space<vmem>>, vector<16xf32>,
      %add3A_54 = arith.addf %add3A_47, %get3A_53 : vector<16xf32>
      %mul3A_55 = arith.constant 16 : i32
      %mul3A_56 = arith.muli %scan3A_36, %mul3A_55 : i32
      %add3A_57 = arith.constant 816 : i32
      %add3A_58 = arith.addi %add3A_57, %mul3A_56 : i32
      %get3A_59 = arith.index_cast %add3A_58 : i32 to index
      %get3A_60 = tpu.vector_load %arg5[%get3A_59] {strides = array<i32>} : memref<4352xf32, #tpu.memory_space<vmem>>, vector<16xf32>,
      %add3A_61 = arith.addf %add3A_54, %get3A_60 : vector<16xf32>
      %mul3A_62 = arith.constant 16 : i32
      %mul3A_63 = arith.muli %scan3A_36, %mul3A_62 : i32
      %add3A_64 = arith.constant 1088 : i32
      %add3A_65 = arith.addi %add3A_64, %mul3A_63 : i32
      %get3A_66 = arith.index_cast %add3A_65 : i32 to index
      %get3A_67 = tpu.vector_load %arg5[%get3A_66] {strides = array<i32>} : memref<4352xf32, #tpu.memory_space<vmem>>, vector<16xf32>,
      %add3A_68 = arith.addf %add3A_61, %get3A_67 : vector<16xf32>
      %mul3A_69 = arith.constant 16 : i32
      %mul3A_70 = arith.muli %scan3A_36, %mul3A_69 : i32
      %add3A_71 = arith.constant 1360 : i32
      %add3A_72 = arith.addi %add3A_71, %mul3A_70 : i32
      %get3A_73 = arith.index_cast %add3A_72 : i32 to index
      %get3A_74 = tpu.vector_load %arg5[%get3A_73] {strides = array<i32>} : memref<4352xf32, #tpu.memory_space<vmem>>, vector<16xf32>,
      %add3A_75 = arith.addf %add3A_68, %get3A_74 : vector<16xf32>
      %mul3A_76 = arith.constant 16 : i32
      %mul3A_77 = arith.muli %scan3A_36, %mul3A_76 : i32
      %add3A_78 = arith.constant 1632 : i32
      %add3A_79 = arith.addi %add3A_78, %mul3A_77 : i32
      %get3A_80 = arith.index_cast %add3A_79 : i32 to index
      %get3A_81 = tpu.vector_load %arg5[%get3A_80] {strides = array<i32>} : memref<4352xf32, #tpu.memory_space<vmem>>, vector<16xf32>,
      %add3A_82 = arith.addf %add3A_75, %get3A_81 : vector<16xf32>
      %mul3A_83 = arith.constant 16 : i32
      %mul3A_84 = arith.muli %scan3A_36, %mul3A_83 : i32
      %add3A_85 = arith.constant 1904 : i32
      %add3A_86 = arith.addi %add3A_85, %mul3A_84 : i32
      %get3A_87 = arith.index_cast %add3A_86 : i32 to index
      %get3A_88 = tpu.vector_load %arg5[%get3A_87] {strides = array<i32>} : memref<4352xf32, #tpu.memory_space<vmem>>, vector<16xf32>,
      %add3A_89 = arith.addf %add3A_82, %get3A_88 : vector<16xf32>
      %mul3A_90 = arith.constant 16 : i32
      %mul3A_91 = arith.muli %scan3A_36, %mul3A_90 : i32
      %add3A_92 = arith.constant 2176 : i32
      %add3A_93 = arith.addi %add3A_92, %mul3A_91 : i32
      %get3A_94 = arith.index_cast %add3A_93 : i32 to index
      %get3A_95 = tpu.vector_load %arg5[%get3A_94] {strides = array<i32>} : memref<4352xf32, #tpu.memory_space<vmem>>, vector<16xf32>,
      %add3A_96 = arith.addf %add3A_89, %get3A_95 : vector<16xf32>
      %mul3A_97 = arith.constant 16 : i32
      %mul3A_98 = arith.muli %scan3A_36, %mul3A_97 : i32
      %add3A_99 = arith.constant 2448 : i32
      %add3A_100 = arith.addi %add3A_99, %mul3A_98 : i32
      %get3A_101 = arith.index_cast %add3A_100 : i32 to index
      %get3A_102 = tpu.vector_load %arg5[%get3A_101] {strides = array<i32>} : memref<4352xf32, #tpu.memory_space<vmem>>, vector<16xf32>,
      %add3A_103 = arith.addf %add3A_96, %get3A_102 : vector<16xf32>
      %mul3A_104 = arith.constant 16 : i32
      %mul3A_105 = arith.muli %scan3A_36, %mul3A_104 : i32
      %add3A_106 = arith.constant 2720 : i32
      %add3A_107 = arith.addi %add3A_106, %mul3A_105 : i32
      %get3A_108 = arith.index_cast %add3A_107 : i32 to index
      %get3A_109 = tpu.vector_load %arg5[%get3A_108] {strides = array<i32>} : memref<4352xf32, #tpu.memory_space<vmem>>, vector<16xf32>,
      %add3A_110 = arith.addf %add3A_103, %get3A_109 : vector<16xf32>
      %mul3A_111 = arith.constant 16 : i32
      %mul3A_112 = arith.muli %scan3A_36, %mul3A_111 : i32
      %add3A_113 = arith.constant 2992 : i32
      %add3A_114 = arith.addi %add3A_113, %mul3A_112 : i32
      %get3A_115 = arith.index_cast %add3A_114 : i32 to index
      %get3A_116 = tpu.vector_load %arg5[%get3A_115] {strides = array<i32>} : memref<4352xf32, #tpu.memory_space<vmem>>, vector<16xf32>,
      %add3A_117 = arith.addf %add3A_110, %get3A_116 : vector<16xf32>
      %mul3A_118 = arith.constant 16 : i32
      %mul3A_119 = arith.muli %scan3A_36, %mul3A_118 : i32
      %add3A_120 = arith.constant 3264 : i32
      %add3A_121 = arith.addi %add3A_120, %mul3A_119 : i32
      %get3A_122 = arith.index_cast %add3A_121 : i32 to index
      %get3A_123 = tpu.vector_load %arg5[%get3A_122] {strides = array<i32>} : memref<4352xf32, #tpu.memory_space<vmem>>, vector<16xf32>,
      %add3A_124 = arith.addf %add3A_117, %get3A_123 : vector<16xf32>
      %mul3A_125 = arith.constant 16 : i32
      %mul3A_126 = arith.muli %scan3A_36, %mul3A_125 : i32
      %add3A_127 = arith.constant 3536 : i32
      %add3A_128 = arith.addi %add3A_127, %mul3A_126 : i32
      %get3A_129 = arith.index_cast %add3A_128 : i32 to index
      %get3A_130 = tpu.vector_load %arg5[%get3A_129] {strides = array<i32>} : memref<4352xf32, #tpu.memory_space<vmem>>, vector<16xf32>,
      %add3A_131 = arith.addf %add3A_124, %get3A_130 : vector<16xf32>
      %mul3A_132 = arith.constant 16 : i32
      %mul3A_133 = arith.muli %scan3A_36, %mul3A_132 : i32
      %add3A_134 = arith.constant 3808 : i32
      %add3A_135 = arith.addi %add3A_134, %mul3A_133 : i32
      %get3A_136 = arith.index_cast %add3A_135 : i32 to index
      %get3A_137 = tpu.vector_load %arg5[%get3A_136] {strides = array<i32>} : memref<4352xf32, #tpu.memory_space<vmem>>, vector<16xf32>,
      %add3A_138 = arith.addf %add3A_131, %get3A_137 : vector<16xf32>
      %mul3A_139 = arith.constant 16 : i32
      %mul3A_140 = arith.muli %scan3A_36, %mul3A_139 : i32
      %add3A_141 = arith.constant 4080 : i32
      %add3A_142 = arith.addi %add3A_141, %mul3A_140 : i32
      %get3A_143 = arith.index_cast %add3A_142 : i32 to index
      %get3A_144 = tpu.vector_load %arg5[%get3A_143] {strides = array<i32>} : memref<4352xf32, #tpu.memory_space<vmem>>, vector<16xf32>,
      %add3A_145 = arith.addf %add3A_138, %get3A_144 : vector<16xf32>
      %mul3A_146 = arith.constant 16 : i32
      %mul3A_147 = arith.muli %scan3A_36, %mul3A_146 : i32
      %swap3A = arith.index_cast %mul3A_147 : i32 to index
      %swap3A_148 = tpu.vector_load %arg6[%swap3A] {strides = array<i32>} : memref<272xf32, #tpu.memory_space<vmem>>, vector<16xf32>,
      tpu.vector_store %arg6[%swap3A], %add3A_145 {strides = array<i32>} : memref<272xf32, #tpu.memory_space<vmem>>, vector<16xf32>,
      %scan3A_149 = arith.constant 0 : i32
      scf.yield %scan3A_149 : i32
    }
    %scan3A_31 = arith.constant 17 : i32
    %mul3A_32 = arith.constant 272 : i32
    %mul3A_33 = arith.muli %arg1, %mul3A_32 : i32
    "tpu.region"() ({
      %run_scoped3A = tpu.sem_alloc : memref<!tpu.dma_semaphore, #tpu.memory_space<semaphore_mem>>
      %dma_start3A = tpu.memref_slice %arg8[%mul3A_33] : memref<4352xf32, #tpu.memory_space<vmem_shared>> -> memref<272xf32, #tpu.memory_space<vmem_shared>>
      %dma_start3A_36 = tpu.memref_slice %arg8[%mul3A_33] : memref<4352xf32, #tpu.memory_space<vmem_shared>> -> memref<272xf32, #tpu.memory_space<vmem_shared>>
      tpu.enqueue_dma source(%arg6 : memref<272xf32, #tpu.memory_space<vmem>>) target(%dma_start3A_36 : memref<272xf32, #tpu.memory_space<vmem_shared>>) target_semaphore(%run_scoped3A : memref<!tpu.dma_semaphore, #tpu.memory_space<semaphore_mem>>)
      %dma_wait3A = tpu.memref_slice %arg8[%mul3A_33] : memref<4352xf32, #tpu.memory_space<vmem_shared>> -> memref<272xf32, #tpu.memory_space<vmem_shared>>
      %dma_wait3A_37 = tpu.memref_slice %arg8[%mul3A_33] : memref<4352xf32, #tpu.memory_space<vmem_shared>> -> memref<272xf32, #tpu.memory_space<vmem_shared>>
      tpu.wait_dma2 semaphore(%run_scoped3A : memref<!tpu.dma_semaphore, #tpu.memory_space<semaphore_mem>>) src(%arg6 : memref<272xf32, #tpu.memory_space<vmem>>) dst(%dma_wait3A_37 : memref<272xf32, #tpu.memory_space<vmem_shared>>)
      tpu.yield
    }) : () -> ()
    %barrier3A = arith.constant 0 : index
    tpu.barrier barrier_id(%barrier3A)
    %eq3A = arith.constant 0 : i32
    %eq3A_34 = arith.cmpi eq, %arg1, %eq3A : i32
    %convert_element_type3A = arith.extui %eq3A_34 : i1 to i32
    %cond3A = arith.constant 0 : i32
    %cond3A_35 = arith.cmpi ne, %convert_element_type3A, %cond3A : i32
    scf.if %cond3A_35 {
      "tpu.region"() ({
        %run_scoped3A = tpu.sem_alloc : memref<!tpu.dma_semaphore, #tpu.memory_space<semaphore_mem>>
        tpu.enqueue_dma source(%arg8 : memref<4352xf32, #tpu.memory_space<vmem_shared>>) target(%arg7 : memref<4352xf32, #tpu.memory_space<vmem>>) target_semaphore(%run_scoped3A : memref<!tpu.dma_semaphore, #tpu.memory_space<semaphore_mem>>)
        tpu.wait_dma2 semaphore(%run_scoped3A : memref<!tpu.dma_semaphore, #tpu.memory_space<semaphore_mem>>) src(%arg8 : memref<4352xf32, #tpu.memory_space<vmem_shared>>) dst(%arg7 : memref<4352xf32, #tpu.memory_space<vmem>>)
        tpu.yield
      }) : () -> ()
      %scan3A_36 = arith.constant 0 : i32
      %scan3A_37 = arith.constant 0 : i32
      %scan3A_38 = arith.constant 16 : i32
      %scan3A_39 = arith.addi %scan3A_37, %scan3A_38 : i32
      %scan3A_40 = arith.constant 1 : i32
      %scan3A_41 = scf.for %scan3A_43 = %scan3A_37 to %scan3A_39 step %scan3A_40 iter_args(%scan3A_44 = %scan3A_36) -> (i32)  : i32 {
        %mul3A_45 = arith.constant 16 : i32
        %mul3A_46 = arith.muli %scan3A_43, %mul3A_45 : i32
        %get3A = arith.index_cast %mul3A_46 : i32 to index
        %get3A_47 = tpu.vector_load %arg7[%get3A] {strides = array<i32>} : memref<4352xf32, #tpu.memory_space<vmem>>, vector<16xf32>,
        %mul3A_48 = arith.constant 16 : i32
        %mul3A_49 = arith.muli %scan3A_43, %mul3A_48 : i32
        %add3A_50 = arith.constant 272 : i32
        %add3A_51 = arith.addi %add3A_50, %mul3A_49 : i32
        %get3A_52 = arith.index_cast %add3A_51 : i32 to index
        %get3A_53 = tpu.vector_load %arg7[%get3A_52] {strides = array<i32>} : memref<4352xf32, #tpu.memory_space<vmem>>, vector<16xf32>,
        %add3A_54 = arith.addf %get3A_47, %get3A_53 : vector<16xf32>
        %mul3A_55 = arith.constant 16 : i32
        %mul3A_56 = arith.muli %scan3A_43, %mul3A_55 : i32
        %add3A_57 = arith.constant 544 : i32
        %add3A_58 = arith.addi %add3A_57, %mul3A_56 : i32
        %get3A_59 = arith.index_cast %add3A_58 : i32 to index
        %get3A_60 = tpu.vector_load %arg7[%get3A_59] {strides = array<i32>} : memref<4352xf32, #tpu.memory_space<vmem>>, vector<16xf32>,
        %add3A_61 = arith.addf %add3A_54, %get3A_60 : vector<16xf32>
        %mul3A_62 = arith.constant 16 : i32
        %mul3A_63 = arith.muli %scan3A_43, %mul3A_62 : i32
        %add3A_64 = arith.constant 816 : i32
        %add3A_65 = arith.addi %add3A_64, %mul3A_63 : i32
        %get3A_66 = arith.index_cast %add3A_65 : i32 to index
        %get3A_67 = tpu.vector_load %arg7[%get3A_66] {strides = array<i32>} : memref<4352xf32, #tpu.memory_space<vmem>>, vector<16xf32>,
        %add3A_68 = arith.addf %add3A_61, %get3A_67 : vector<16xf32>
        %mul3A_69 = arith.constant 16 : i32
        %mul3A_70 = arith.muli %scan3A_43, %mul3A_69 : i32
        %add3A_71 = arith.constant 1088 : i32
        %add3A_72 = arith.addi %add3A_71, %mul3A_70 : i32
        %get3A_73 = arith.index_cast %add3A_72 : i32 to index
        %get3A_74 = tpu.vector_load %arg7[%get3A_73] {strides = array<i32>} : memref<4352xf32, #tpu.memory_space<vmem>>, vector<16xf32>,
        %add3A_75 = arith.addf %add3A_68, %get3A_74 : vector<16xf32>
        %mul3A_76 = arith.constant 16 : i32
        %mul3A_77 = arith.muli %scan3A_43, %mul3A_76 : i32
        %add3A_78 = arith.constant 1360 : i32
        %add3A_79 = arith.addi %add3A_78, %mul3A_77 : i32
        %get3A_80 = arith.index_cast %add3A_79 : i32 to index
        %get3A_81 = tpu.vector_load %arg7[%get3A_80] {strides = array<i32>} : memref<4352xf32, #tpu.memory_space<vmem>>, vector<16xf32>,
        %add3A_82 = arith.addf %add3A_75, %get3A_81 : vector<16xf32>
        %mul3A_83 = arith.constant 16 : i32
        %mul3A_84 = arith.muli %scan3A_43, %mul3A_83 : i32
        %add3A_85 = arith.constant 1632 : i32
        %add3A_86 = arith.addi %add3A_85, %mul3A_84 : i32
        %get3A_87 = arith.index_cast %add3A_86 : i32 to index
        %get3A_88 = tpu.vector_load %arg7[%get3A_87] {strides = array<i32>} : memref<4352xf32, #tpu.memory_space<vmem>>, vector<16xf32>,
        %add3A_89 = arith.addf %add3A_82, %get3A_88 : vector<16xf32>
        %mul3A_90 = arith.constant 16 : i32
        %mul3A_91 = arith.muli %scan3A_43, %mul3A_90 : i32
        %add3A_92 = arith.constant 1904 : i32
        %add3A_93 = arith.addi %add3A_92, %mul3A_91 : i32
        %get3A_94 = arith.index_cast %add3A_93 : i32 to index
        %get3A_95 = tpu.vector_load %arg7[%get3A_94] {strides = array<i32>} : memref<4352xf32, #tpu.memory_space<vmem>>, vector<16xf32>,
        %add3A_96 = arith.addf %add3A_89, %get3A_95 : vector<16xf32>
        %mul3A_97 = arith.constant 16 : i32
        %mul3A_98 = arith.muli %scan3A_43, %mul3A_97 : i32
        %add3A_99 = arith.constant 2176 : i32
        %add3A_100 = arith.addi %add3A_99, %mul3A_98 : i32
        %get3A_101 = arith.index_cast %add3A_100 : i32 to index
        %get3A_102 = tpu.vector_load %arg7[%get3A_101] {strides = array<i32>} : memref<4352xf32, #tpu.memory_space<vmem>>, vector<16xf32>,
        %add3A_103 = arith.addf %add3A_96, %get3A_102 : vector<16xf32>
        %mul3A_104 = arith.constant 16 : i32
        %mul3A_105 = arith.muli %scan3A_43, %mul3A_104 : i32
        %add3A_106 = arith.constant 2448 : i32
        %add3A_107 = arith.addi %add3A_106, %mul3A_105 : i32
        %get3A_108 = arith.index_cast %add3A_107 : i32 to index
        %get3A_109 = tpu.vector_load %arg7[%get3A_108] {strides = array<i32>} : memref<4352xf32, #tpu.memory_space<vmem>>, vector<16xf32>,
        %add3A_110 = arith.addf %add3A_103, %get3A_109 : vector<16xf32>
        %mul3A_111 = arith.constant 16 : i32
        %mul3A_112 = arith.muli %scan3A_43, %mul3A_111 : i32
        %add3A_113 = arith.constant 2720 : i32
        %add3A_114 = arith.addi %add3A_113, %mul3A_112 : i32
        %get3A_115 = arith.index_cast %add3A_114 : i32 to index
        %get3A_116 = tpu.vector_load %arg7[%get3A_115] {strides = array<i32>} : memref<4352xf32, #tpu.memory_space<vmem>>, vector<16xf32>,
        %add3A_117 = arith.addf %add3A_110, %get3A_116 : vector<16xf32>
        %mul3A_118 = arith.constant 16 : i32
        %mul3A_119 = arith.muli %scan3A_43, %mul3A_118 : i32
        %add3A_120 = arith.constant 2992 : i32
        %add3A_121 = arith.addi %add3A_120, %mul3A_119 : i32
        %get3A_122 = arith.index_cast %add3A_121 : i32 to index
        %get3A_123 = tpu.vector_load %arg7[%get3A_122] {strides = array<i32>} : memref<4352xf32, #tpu.memory_space<vmem>>, vector<16xf32>,
        %add3A_124 = arith.addf %add3A_117, %get3A_123 : vector<16xf32>
        %mul3A_125 = arith.constant 16 : i32
        %mul3A_126 = arith.muli %scan3A_43, %mul3A_125 : i32
        %add3A_127 = arith.constant 3264 : i32
        %add3A_128 = arith.addi %add3A_127, %mul3A_126 : i32
        %get3A_129 = arith.index_cast %add3A_128 : i32 to index
        %get3A_130 = tpu.vector_load %arg7[%get3A_129] {strides = array<i32>} : memref<4352xf32, #tpu.memory_space<vmem>>, vector<16xf32>,
        %add3A_131 = arith.addf %add3A_124, %get3A_130 : vector<16xf32>
        %mul3A_132 = arith.constant 16 : i32
        %mul3A_133 = arith.muli %scan3A_43, %mul3A_132 : i32
        %add3A_134 = arith.constant 3536 : i32
        %add3A_135 = arith.addi %add3A_134, %mul3A_133 : i32
        %get3A_136 = arith.index_cast %add3A_135 : i32 to index
        %get3A_137 = tpu.vector_load %arg7[%get3A_136] {strides = array<i32>} : memref<4352xf32, #tpu.memory_space<vmem>>, vector<16xf32>,
        %add3A_138 = arith.addf %add3A_131, %get3A_137 : vector<16xf32>
        %mul3A_139 = arith.constant 16 : i32
        %mul3A_140 = arith.muli %scan3A_43, %mul3A_139 : i32
        %add3A_141 = arith.constant 3808 : i32
        %add3A_142 = arith.addi %add3A_141, %mul3A_140 : i32
        %get3A_143 = arith.index_cast %add3A_142 : i32 to index
        %get3A_144 = tpu.vector_load %arg7[%get3A_143] {strides = array<i32>} : memref<4352xf32, #tpu.memory_space<vmem>>, vector<16xf32>,
        %add3A_145 = arith.addf %add3A_138, %get3A_144 : vector<16xf32>
        %mul3A_146 = arith.constant 16 : i32
        %mul3A_147 = arith.muli %scan3A_43, %mul3A_146 : i32
        %add3A_148 = arith.constant 4080 : i32
        %add3A_149 = arith.addi %add3A_148, %mul3A_147 : i32
        %get3A_150 = arith.index_cast %add3A_149 : i32 to index
        %get3A_151 = tpu.vector_load %arg7[%get3A_150] {strides = array<i32>} : memref<4352xf32, #tpu.memory_space<vmem>>, vector<16xf32>,
        %add3A_152 = arith.addf %add3A_145, %get3A_151 : vector<16xf32>
        %mul3A_153 = arith.constant 16 : i32
        %mul3A_154 = arith.muli %scan3A_43, %mul3A_153 : i32
        %swap3A = arith.index_cast %mul3A_154 : i32 to index
        %swap3A_155 = tpu.vector_load %arg6[%swap3A] {strides = array<i32>} : memref<272xf32, #tpu.memory_space<vmem>>, vector<16xf32>,
        tpu.vector_store %arg6[%swap3A], %add3A_152 {strides = array<i32>} : memref<272xf32, #tpu.memory_space<vmem>>, vector<16xf32>,
        %scan3A_156 = arith.constant 0 : i32
        scf.yield %scan3A_156 : i32
      }
      %scan3A_42 = arith.constant 16 : i32
      "tpu.region"() ({
        %run_scoped3A = tpu.sem_alloc : memref<!tpu.dma_semaphore, #tpu.memory_space<semaphore_mem>>
        %dma_start3A = arith.constant 0 : i32
        %dma_start3A_43 = tpu.memref_slice %arg6[%dma_start3A] : memref<272xf32, #tpu.memory_space<vmem>> -> memref<256xf32, #tpu.memory_space<vmem>>
        %dma_start3A_44 = arith.constant 0 : i32
        %dma_start3A_45 = tpu.memref_slice %arg3[%arg0, %dma_start3A_44] : memref<2x256xf32, #tpu.memory_space<hbm>> -> memref<1x256xf32, #tpu.memory_space<hbm>>
        %dma_start3A_46 = tpu.memref_squeeze %dma_start3A_45 : memref<1x256xf32, #tpu.memory_space<hbm>> -> memref<256xf32, #tpu.memory_space<hbm>>
        %dma_start3A_47 = arith.constant 0 : i32
        %dma_start3A_48 = tpu.memref_slice %arg3[%arg0, %dma_start3A_47] : memref<2x256xf32, #tpu.memory_space<hbm>> -> memref<1x256xf32, #tpu.memory_space<hbm>>
        %dma_start3A_49 = tpu.memref_squeeze %dma_start3A_48 : memref<1x256xf32, #tpu.memory_space<hbm>> -> memref<256xf32, #tpu.memory_space<hbm>>
        %dma_start3A_50 = arith.constant 0 : i32
        %dma_start3A_51 = tpu.memref_slice %arg6[%dma_start3A_50] : memref<272xf32, #tpu.memory_space<vmem>> -> memref<256xf32, #tpu.memory_space<vmem>>
        tpu.enqueue_dma source(%dma_start3A_51 : memref<256xf32, #tpu.memory_space<vmem>>) target(%dma_start3A_49 : memref<256xf32, #tpu.memory_space<hbm>>) target_semaphore(%run_scoped3A : memref<!tpu.dma_semaphore, #tpu.memory_space<semaphore_mem>>)
        %dma_wait3A = arith.constant 0 : i32
        %dma_wait3A_52 = tpu.memref_slice %arg6[%dma_wait3A] : memref<272xf32, #tpu.memory_space<vmem>> -> memref<256xf32, #tpu.memory_space<vmem>>
        %dma_wait3A_53 = arith.constant 0 : i32
        %dma_wait3A_54 = tpu.memref_slice %arg3[%arg0, %dma_wait3A_53] : memref<2x256xf32, #tpu.memory_space<hbm>> -> memref<1x256xf32, #tpu.memory_space<hbm>>
        %dma_wait3A_55 = tpu.memref_squeeze %dma_wait3A_54 : memref<1x256xf32, #tpu.memory_space<hbm>> -> memref<256xf32, #tpu.memory_space<hbm>>
        %dma_wait3A_56 = arith.constant 0 : i32
        %dma_wait3A_57 = tpu.memref_slice %arg3[%arg0, %dma_wait3A_56] : memref<2x256xf32, #tpu.memory_space<hbm>> -> memref<1x256xf32, #tpu.memory_space<hbm>>
        %dma_wait3A_58 = tpu.memref_squeeze %dma_wait3A_57 : memref<1x256xf32, #tpu.memory_space<hbm>> -> memref<256xf32, #tpu.memory_space<hbm>>
        %dma_wait3A_59 = arith.constant 0 : i32
        %dma_wait3A_60 = tpu.memref_slice %arg6[%dma_wait3A_59] : memref<272xf32, #tpu.memory_space<vmem>> -> memref<256xf32, #tpu.memory_space<vmem>>
        tpu.wait_dma2 semaphore(%run_scoped3A : memref<!tpu.dma_semaphore, #tpu.memory_space<semaphore_mem>>) src(%dma_wait3A_60 : memref<256xf32, #tpu.memory_space<vmem>>) dst(%dma_wait3A_58 : memref<256xf32, #tpu.memory_space<hbm>>)
        tpu.yield
      }) : () -> ()
    } else {
    }
    return
  }
}

</mosaic_0001>

<sc_bundles>
// kernel: _sc_counts.3.cloned.1.call-start
scs
__scs_entry_jumppad:
0x0: {  	(pc) =	sbr.rel $0x88, $3  }
0x1: {  	(tag) =	ssettag $0x0;
	lr =	simm.s32 $0x1  }
0x2: {  	[smem:$0x3FA0] =	sst lr;
	_ =	strace $0xD0000000  }
0x3: {  	_ = 	snop  }
0x4: {  	_ = 	snop  }
0x5: {  	_ = 	snop  }
0x6: {  	_ = 	snop  }
0x7: {  	_ = 	snop  }
__scs_overlays_trampoline_lowered:
0x8: {  	[smem:$0x3FAF] =	sst s0  }
0x9: {  	[smem:$0x3FB0] =	sst s1  }
0xa: {  	[smem:$0x3FB1] =	sst s2  }
0xb: {  	[smem:$0x3FB2] =	sst s3  }
0xc: {  	[smem:$0x3FB3] =	sst s4  }
0xd: {  	[smem:$0x3FB4] =	sst s5  }
0xe: {  	[smem:$0x3FB5] =	sst s6  }
0xf: {  	[smem:$0x3FB6] =	sst s7  }
0x10: {  	[smem:$0x3FB7] =	sst s8  }
0x11: {  	[smem:$0x3FB8] =	sst s9;
	s0 =	simm.s32 @!p0 $0x0  }
0x12: {  	s1 =	sld [smem:$0x3F9E];
	s0 =	simm.s32 @p0 $0x1  }
0x13: {  	[smem:$0x3FB9] =	sst s0;
	s0 =	simm.s32 @!p1 $0x0  }
0x14: {  	s2 =	sld [smem:$0x3F9D];
	s0 =	simm.s32 @p1 $0x1  }
0x15: {  	[smem:$0x3FBA] =	sst s0;
	s0 =	simm.s32 @!p2 $0x0  }
0x16: {  	s3 =	sld [smem:$0x3FDB];
	s0 =	simm.s32 @p2 $0x1  }
0x17: {  	s4 =	simm.s32 $0x1BF5;
	[smem:$0x3FBC] =	sst s0  }
0x18: {  	s0 =	sld [smem:$0x3F9F];
	_ =	swait.ge [sflag:s4], $0x0  }
0x19: {  	s7 =	sld [smem:$0x3FA0]  }
0x1a: {  	s8 =	sadd.s32 $0xFFFFE003, lr  }
0x1b: {  	s9 =	sadd.s32 $0xFFFFFEF7, lr;
	s5 =	simm.s32 $0xFFFFFFFF;
	p2 =	slt.u32 s8, $0xFFFFF086  }
0x1c: {  	p1 =	slt.u32 s9, $0xF7A;
	s5 =	simm.s32 @!p2 $0x0  }
0x1d: {  	s5 =	simm.s32 @p1 $0x1;
	p0 =	seq.s32 s7, s2  }
0x1e: {  	s7 =	smul.u32 @!p0 $0xF7A, s2;
	p2 =	seq.s32 @!p0 s5, $0x0  }
0x1f: {  	s9 =	smul.u32 $0xF7A, s1;
	s8 =	simm.s32 @!p0 $0x1BF5;
	p2 =	por !p2, p0  }
0x20: {  	[sflag:s8] =	ssyncset.s32 @!p0 $0xFFFFF086;
	s6 =	sadd.s32 @!p0 s3, s7;
	s7 =	simm.s32 @!p0 $0x108  }
0x21: {  	s3 =	sadd.s32 s3, s9;
	s6 =	sadd.s32 @!p0 $0x88, s6;
	s7 =	simm.s32 @p2 $0x1082  }
0x22: {  	[simem:s7], [sflag:s8] =	dma.local @!p0 [hbm:s6], $0xF7A  }
0x23: {  	s9 =	sor.u32 $0xD0000000, s2;
	s6 =	simm.s32 $0x108;
	_ =	swait.ge @!p0 [sflag:s8], $0x0  }
0x24: {  	s3 =	sadd.s32 $0x88, s3;
	s6 =	simm.s32 @!p1 $0x1082;
	[sflag:s4] =	ssyncset.s32 $0xFFFFF086  }
0x25: {  	[simem:s6], [sflag:s4] =	dma.local [hbm:s3], $0xF7A  }
0x26: {  	[smem:$0x3FA0] =	sst s1;
	(tag) =	ssettag s2;
	_ =	strace s9  }
0x27: {  	s1 =	sld [smem:$0x3FB0]  }
0x28: {  	s2 =	sld [smem:$0x3FB1]  }
0x29: {  	s4 =	sld [smem:$0x3FB3]  }
0x2a: {  	p0 =	seq.s32 s5, $0x0;
	s5 =	sld [smem:$0x3FB4]  }
0x2b: {  	s6 =	sld [smem:$0x3FB5]  }
0x2c: {  	s7 =	sld [smem:$0x3FB6]  }
0x2d: {  	s3 =	simm.s32 $0x108;
	s8 =	sld [smem:$0x3FB7]  }
0x2e: {  	s3 =	simm.s32 @!p0 $0x1082;
	s9 =	sld [smem:$0x3FB8]  }
0x2f: {  	lr =	sadd.s32 s0, s3;
	s0 =	sld [smem:$0x3FAF]  }
0x30: {  	s3 =	sld [smem:$0x3FB2]  }
0x31: {  	[smem:$0x3FBB] =	sst s10  }
0x32: {  	s10 =	sld [smem:$0x3FB9];
	_ =	sdelay $0x3  }
0x33: {  	p0 =	seq.s32 s10, $0x1;
	s10 =	sld [smem:$0x3FBB];
	_ =	sdelay $0x3  }
0x34: {  	[smem:$0x3FBB] =	sst s10  }
0x35: {  	s10 =	sld [smem:$0x3FBA];
	_ =	sdelay $0x3  }
0x36: {  	p1 =	seq.s32 s10, $0x1;
	s10 =	sld [smem:$0x3FBB];
	_ =	sdelay $0x3  }
0x37: {  	[smem:$0x3FBB] =	sst s10  }
0x38: {  	s10 =	sld [smem:$0x3FBC]  }
0x39: {  	_ = 	snop;
	(pc) =	sbr.ind lr, $3  }
0x3a: {  	_ = 	snop  }
0x3b: {  	_ = 	snop  }
0x3c: {  	p2 =	seq.s32 s10, $0x1;
	s10 =	sld [smem:$0x3FBB]  }
0x3d: {  	_ =	shalt  }
0x3e: {  	_ =	shalt  }
0x3f: {  	_ =	shalt  }
0x40: {  	_ =	shalt  }
0x41: {  	_ =	shalt  }
0x42: {  	_ =	shalt  }
0x43: {  	_ =	shalt  }
0x44: {  	_ =	shalt  }
0x45: {  	_ =	shalt  }
0x46: {  	_ =	shalt  }
0x47: {  	_ =	shalt  }
0x48: {  	_ =	shalt  }
0x49: {  	_ =	shalt  }
0x4a: {  	_ =	shalt  }
0x4b: {  	_ =	shalt  }
0x4c: {  	_ =	shalt  }
0x4d: {  	_ =	shalt  }
0x4e: {  	_ =	shalt  }
0x4f: {  	_ =	shalt  }
0x50: {  	_ =	shalt  }
0x51: {  	_ =	shalt  }
0x52: {  	_ =	shalt  }
0x53: {  	_ =	shalt  }
0x54: {  	_ =	shalt  }
0x55: {  	_ =	shalt  }
0x56: {  	_ =	shalt  }
0x57: {  	_ =	shalt  }
0x58: {  	_ =	shalt  }
0x59: {  	_ =	shalt  }
0x5a: {  	_ =	shalt  }
0x5b: {  	_ =	shalt  }
0x5c: {  	_ =	shalt  }
0x5d: {  	_ =	shalt  }
0x5e: {  	_ =	shalt  }
0x5f: {  	_ =	shalt  }
0x60: {  	_ =	shalt  }
0x61: {  	_ =	shalt  }
0x62: {  	_ =	shalt  }
0x63: {  	_ =	shalt  }
0x64: {  	_ =	shalt  }
0x65: {  	_ =	shalt  }
0x66: {  	_ =	shalt  }
0x67: {  	_ =	shalt  }
0x68: {  	_ =	shalt  }
0x69: {  	_ =	shalt  }
0x6a: {  	_ =	shalt  }
0x6b: {  	_ =	shalt  }
0x6c: {  	_ =	shalt  }
0x6d: {  	_ =	shalt  }
0x6e: {  	_ =	shalt  }
0x6f: {  	_ =	shalt  }
0x70: {  	_ =	shalt  }
0x71: {  	_ =	shalt  }
0x72: {  	_ =	shalt  }
0x73: {  	_ =	shalt  }
0x74: {  	_ =	shalt  }
0x75: {  	_ =	shalt  }
0x76: {  	_ =	shalt  }
0x77: {  	_ =	shalt  }
0x78: {  	_ =	shalt  }
0x79: {  	_ =	shalt  }
0x7a: {  	_ =	shalt  }
0x7b: {  	_ =	shalt  }
0x7c: {  	_ =	shalt  }
0x7d: {  	_ =	shalt  }
0x7e: {  	_ =	shalt  }
0x7f: {  	_ =	shalt  }
0x80: {  	_ =	shalt  }
0x81: {  	_ =	shalt  }
0x82: {  	_ =	shalt  }
0x83: {  	_ =	shalt  }
0x84: {  	_ =	shalt  }
0x85: {  	_ =	shalt  }
0x86: {  	_ =	shalt  }
0x87: {  	_ =	shalt  }
.Lfunc_end0:
.L_simem_size_0:
called_computation_lowered:
.L_overlay_start_0:
0x88: {  	s2 =	sld [smem:$0x3FD9]  }
0x89: {  	s3 =	sld [smem:$0x3FFE];
	_ =	sdelay $0x1  }
0x8a: {  	s1 =	srdreg.scid  }
0x8b: {  	s0 =	sand.u32 $0x1, s1  }
0x8c: {  	s18 =	sshll.u32 s0, $0xA;
	s2 =	sadd.s32 s3, s2  }
0x8d: {  	s2 =	sadd.s32 s2, s18  }
0x8e: {  	[smem:$0x3FC7] =	sst s2  }
0x8f: {  	_ = 	snop  }
0x90: {  	s2 =	sld [smem:$0x3FC9]  }
0x91: {  	s19 =	sld [smem:$0x3FD0];
	(tm) =	ssettm $0x1  }
0x92: {  	s4 =	sld [smem:$0x3FFB];
	_ =	sdelay $0x3  }
0x93: {  	_ =	strace s4  }
0x94: {  	s4 =	sld [smem:$0x3FFC];
	_ =	sdelay $0x3  }
0x95: {  	_ =	strace s4  }
0x96: {  	s4 =	sld [smem:$0x3FFD];
	_ =	sdelay $0x3  }
0x97: {  	_ =	strace s4  }
0x98: {  	_ =	strace $0x8FFFFFFF  }
0x99: {  	s20 =	sld [smem:$0x3FDB];
	_ =	sdelay $0x1  }
0x9a: {  	s5 =	simm.s32 $_scs_section_size  }
0x9b: {  	s6 =	simm.s32 $_size__tile_overlayer_lowered;
	s7 =	simm.s32 $_tile_overlayer_lowered  }
0x9c: {  	s23 =	simm.s32 $0x1BFF;
	s22 =	sshll.u32 s7, $0x1;
	s4 =	sadd.s32 s5, s20  }
0x9d: {  	s8 =	simm.s32 $0x0;
	s21 =	sshll.u32 s6, $0x1;
	s6 =	sadd.s32 s22, s4  }
0x9e: {  	[timem:s8], [sflag:s23] =	dma.local [hbm:s6], s21  }
0x9f: {  	_ =	swait.ge [sflag:s23], s21  }
0xa0: {  	s5 =	ssub.s32 $0x0, s21;
	[sflag:s23] =	ssyncset.done $0x0  }
0xa1: {  	[sflag:s23] =	ssyncadd.s32 s5;
	_ =	sdelay $0x1  }
0xa2: {  	s24 =	simm.s32 $0x1B8B  }
0xa3: {  	_ =	swait.ge [sflag:s24], $0x1  }
0xa4: {  	[sflag:s24] =	ssyncset.done $0x0  }
0xa5: {  	s25 =	simm.s32 $0x1B8E;
	[sflag:s24] =	ssyncadd.s32 $0xFFFFFFFF  }
0xa6: {  	s26 =	simm.s32 $execute0_lowered;
	[smem:$0x3FD2] =	sst s25  }
0xa7: {  	s5 =	sshll.u32 s26, $0x1;
	_ =	strace $0x80000046;
	[dreg:$0x1] =	wrdreg $0xFFFFFFFF  }
0xa8: {  	s28 =	simm.s32 $_size_execute0_lowered;
	s4 =	sadd.s32 s4, s5;
	[dreg:$0x0] =	wrdreg $0x0  }
0xa9: {  	s5 =	sshll.u32 s28, $0x1;
	[dreg:$0x2] =	wrdreg s4  }
0xaa: {  	[dreg:$0x3] =	wrdreg s5  }
0xab: {  	[dreg:$0x4] =	wrdreg $0xC0  }
0xac: {  	_ =	task [dreg:s8], $0x5FFFF  }
0xad: {  	[dreg:$0x1] =	wrdreg $0xFFFFFFFF  }
0xae: {  	[dreg:$0x0] =	wrdreg $0x60  }
0xaf: {  	[dreg:$0x2] =	wrdreg s2  }
0xb0: {  	[dreg:$0x3] =	wrdreg s19  }
0xb1: {  	[dreg:$0x4] =	wrdreg $0x30000  }
0xb2: {  	[dreg:$0x5] =	wrdreg $0x9  }
0xb3: {  	_ =	task.clear_ibuf [dreg:s8], $0x6FFFF;
	_ =	strace $0x90000046  }
0xb4: {  	s29 =	simm.s32 $0x9;
	_ =	strace $0x80000048  }
0xb5: {  	_ =	swait.ge [sflag:s29], $0x1  }
0xb6: {  	[sflag:s29] =	ssyncadd.s32 $0xFFFFFFFF  }
0xb7: {  	_ =	strace $0x90000048  }
0xb8: {  	_ =	sfence  }
0xb9: {  	s30 =	sld [smem:$0x0];
	_ =	sdelay $0x2  }
0xba: {  	s31 =	sshll.u32 s1, $0xD;
	s1 =	sshrl.u32 s1, $0x2  }
0xbb: {  	s3 =	sand.u32 $0x4000, s31;
	s1 =	sadd.s32 s1, s30  }
0xbc: {  	s0 =	sor.u32 s3, s0;
	s1 =	sshll.u32 s1, $0x11  }
0xbd: {  	s0 =	sor.u32 s1, s0  }
0xbe: {  	s0 =	sadd.s32 $0x8F2B, s0  }
0xbf: {  	[sflag:s0] =	ssyncadd.remote.s32 $0x1  }
0xc0: {  	_ =	sfence.sel $0xFFFF  }
0xc1: {  	[dreg:$0x0] =	wrdreg $0xFFFFFFFF;
	(pc) =	sbr.abs _section_cstart, $3  }
0xc2: {  	[dreg:$0x1] =	wrdreg $0xFFFFFFFF  }
0xc3: {  	_ =	task.clear_ibuf [dreg:s8], $0x2FFFF;
	_ =	strace $0x9FFFFFFF  }
0xc4: {  	(tm) =	ssettm $0x7FFFFFFF  }
0xc5: {  	_ =	shalt  }
tec
execute0_lowered:
.L_overlay_start_1:
0x0: {  	(tag) =	ssettag $0x1  }
0x1: {  	s3 =	rddreg [dreg:$0x0]  }
0x2: {  	s0 =	srdreg.scid;
	s5 =	rddreg [dreg:$0x1]  }
0x3: {  	s9 =	stileid.u32;
	s1 =	rddreg [dreg:$0x2]  }
0x4: {  	s2 =	simm.s32 $0x0;
	s4 =	sand.u32 $0x1, s0;
	s0 =	rddreg [dreg:$0x3]  }
0x5: {  	s13 =	simm.s32 $0x0;
	s28 =	sshll.u32 s9, $0x1;
	[smem:$0x7FF] =	sst s2  }
0x6: {  	s11 =	smul.u32 $0x440, s9;
	p0 =	sne.s32 s9, $0x0;
	s9 =	simm.s32 $0x1D80  }
0x7: {  	s6 =	sor.u32 s4, s28;
	s7 =	ssub.s32 $0x2, s4;
	_ =	strace $0x80000047  }
0x8: {  	s31 =	sshll.u32 s4, $0x4;
	s6 =	smul.u32 $0xC40, s6;
	s8 =	sshrl.u32 s7, $0x1  }
.Ltmp0:
0x9: {  	s30 =	sshrl.u32 s11, $0x2;
	s5 =	sadd.s32 s5, s31;
	(pc) =	sbr.rel .LBB2_1-.Ltmp0, $4  }
0xa: {  	s11 =	simm.s32 $0x80;
	s7 =	ssub.s32 s7, s8;
	s10 =	smin.u32 s6, $0x17A60  }
0xb: {  	s4 =	sadd.s32 s30, s1;
	s8 =	simm.s32 $0xC80;
	s12 =	ssub.s32 s6, s10  }
0xc: {  	v1 =	vlaneseq.u32;
	v2 =	vimm.f32 $0.0e+00;
	s29 =	sshrl.u32 s10, $0x3;
	s6 =	smax.u32 s7, $0x1;
	s7 =	simm.s32 $0x1  }
0xd: {  	v4 =	vimm.f32 $1.000000000e+00;
	v3 =	vmul.u32 $0x110, v1;
	s10 =	simm.s32 $0x1F00;
	s3 =	sadd.s32 s3, s29;
	v0 =	vmov s12;
	s12 =	simm.s32 $0x100  }
.LBB2_10:
0xe: {  	v7 =	vld [tilespmem:s15+$0xFFFFF890];
	_ =	sdelay $0x1  }
0xf: {  	v8 =	vld [tilespmem:s15+$0xFFFFF9A0]  }
0x10: {  	v5 =	vadd.f32 v5, v6  }
0x11: {  	v6 =	vld [tilespmem:s15+$0xFFFFFAB0]  }
0x12: {  	v5 =	vadd.f32 v7, v5  }
0x13: {  	v7 =	vld [tilespmem:s15+$0xFFFFFBC0]  }
0x14: {  	v5 =	vadd.f32 v8, v5  }
0x15: {  	v60 =	vld [tilespmem:s15+$0xFFFFFCD0]  }
0x16: {  	v5 =	vadd.f32 v6, v5  }
0x17: {  	v6 =	vld [tilespmem:s15+$0xFFFFFDE0]  }
0x18: {  	s16 =	sand.u32 $0xF0, s16;
	v5 =	vadd.f32 v7, v5  }
0x19: {  	v7 =	vld [tilespmem:s16+$0x2780]  }
0x1a: {  	v5 =	vadd.f32 v60, v5  }
0x1b: {  	v61 =	vld [tilespmem:s15+$0x0]  }
0x1c: {  	v5 =	vadd.f32 v6, v5  }
0x1d: {  	v6 =	vld [tilespmem:s15+$0x110]  }
0x1e: {  	v5 =	vadd.f32 v7, v5  }
0x1f: {  	v7 =	vld [tilespmem:s15+$0x220]  }
0x20: {  	v5 =	vadd.f32 v61, v5  }
0x21: {  	v62 =	vld [tilespmem:s15+$0x330]  }
0x22: {  	v5 =	vadd.f32 v6, v5  }
0x23: {  	v6 =	vld [tilespmem:s15+$0x440]  }
0x24: {  	v5 =	vadd.f32 v7, v5  }
0x25: {  	v7 =	vld [tilespmem:s15+$0x550]  }
0x26: {  	v5 =	vadd.f32 v62, v5  }
0x27: {  	v63 =	vld [tilespmem:s15+$0x660]  }
0x28: {  	v5 =	vadd.f32 v6, v5;
	_ =	sdelay $0x1  }
0x29: {  	v5 =	vadd.f32 v7, v5;
	_ =	sdelay $0x1  }
0x2a: {  	v5 =	vadd.f32 v63, v5  }
0x2b: {  	s14 =	sadd.s32 $0x10, s14  }
0x2c: {  	[tilespmem:s14+$0x0] =	vst v5  }
0x2d: {  	[hbm4b:s5+s11] =	stream.strided.scatter [tilespmem:s9], [sflag:$0x1], $0x100, s12, s11, $0x38;
	[tilespmem:$0x3110] =	vst v63  }
0x2e: {  	_ =	swait.ge [sflag:s7], $0x100  }
0x2f: {  	[sflag:s7] =	ssyncset.done $0x0  }
0x30: {  	[sflag:s7] =	ssyncadd.s32 $0xFFFFFF00  }
.LBB2_11:
0x31: {  	s13 =	sadd.s32 $0x1, s13  }
0x32: {  	p1 =	sne.s32 s13, s6  }
.Ltmp1:
0x33: {  	_ = 	snop;
	(pc) =	sbr.rel @!p1 .LBB2_12-.Ltmp1, $1  }
0x34: {  	_ =	sdelay $0x3  }
.LBB2_1:
0x35: {  	[tilespmem:s2], [sflag:$0x1] =	stream.linear.gather [hbm4b:s3+s2], $0xC40, $0x38;
	[tilespmem:$0x3110] =	vst v63  }
0x36: {  	_ =	swait.ge [sflag:s7], $0xC40  }
0x37: {  	[sflag:s7] =	ssyncset.done $0x0  }
0x38: {  	s14 =	simm.s32 $0x40;
	s15 =	simm.s32 $0x0;
	[sflag:s7] =	ssyncadd.s32 $0xFFFFF3C0  }
.LBB2_2:
0x39: {  	p1 =	sne.s32 s14, $0x43C0;
	[tilespmem:s15+$0xC80] =	vst v2;
	s15 =	smov.u32 s14;
	s14 =	sadd.s32 $0x40, s14  }
.Ltmp2:
0x3a: {  	(pc) =	sbr.rel @p1 .LBB2_2-.Ltmp2, $2  }
0x3b: {  	_ =	sdelay $0x2  }
0x3c: {  	s15 =	sshra.s32 s15, $0x2  }
0x3d: {  	[tilespmem:s15+$0xC80] =	vst v2;
	s14 =	simm.s32 $0x0;
	s15 =	simm.s32 $0x0;
	s16 =	simm.s32 $0x0  }
.LBB2_4:
0x3e: {  	v5 =	vld [tilespmem:s15+$0x0];
	_ =	sdelay $0x2  }
0x3f: {  	v6 =	vor.u32 s16, v1  }
0x40: {  	vm0 =	vge.u32 v6, v0  }
0x41: {  	p1 =	sne.s32 s16, $0xC30;
	v5 =	vadd.s32 v3, v5  }
.Ltmp3:
0x42: {  	_ = 	snop;
	(pc) =	sbr.rel @p1 .LBB2_4-.Ltmp3, $2  }
0x43: {  	_ =	sdelay $0x2  }
0x44: {  	s15 =	sadd.s32 $0x10, s15;
	s16 =	sadd.s32 $0x10, s16;
	[tilespmem:v5+s8+$0x0] =	vst.idx.add.f32.msk vm0, v4  }
0x45: {  	s15 =	simm.s32 $0x1610  }
0x46: {  	v5 =	vld [tilespmem:s15+$0xFFFFF780]  }
0x47: {  	v6 =	vld [tilespmem:s15+$0xFFFFF670];
	_ =	sdelay $0x1  }
0x48: {  	v7 =	vld [tilespmem:s15+$0xFFFFF890];
	_ =	sdelay $0x1  }
0x49: {  	v8 =	vld [tilespmem:s15+$0xFFFFF9A0]  }
0x4a: {  	v5 =	vadd.f32 v5, v6  }
0x4b: {  	v6 =	vld [tilespmem:s15+$0xFFFFFAB0]  }
0x4c: {  	v5 =	vadd.f32 v7, v5  }
0x4d: {  	v7 =	vld [tilespmem:s15+$0xFFFFFBC0]  }
0x4e: {  	v5 =	vadd.f32 v8, v5  }
0x4f: {  	v8 =	vld [tilespmem:s15+$0xFFFFFCD0]  }
0x50: {  	v5 =	vadd.f32 v6, v5  }
0x51: {  	v6 =	vld [tilespmem:s15+$0xFFFFFDE0]  }
0x52: {  	s14 =	sand.u32 $0x1F0, s14;
	v5 =	vadd.f32 v7, v5  }
0x53: {  	v7 =	vld [tilespmem:s14+$0x1500]  }
0x54: {  	v5 =	vadd.f32 v8, v5  }
0x55: {  	v8 =	vld [tilespmem:s15+$0x0]  }
0x56: {  	v5 =	vadd.f32 v6, v5  }
0x57: {  	v6 =	vld [tilespmem:s15+$0x110]  }
0x58: {  	v5 =	vadd.f32 v7, v5  }
0x59: {  	v7 =	vld [tilespmem:s15+$0x220]  }
0x5a: {  	v5 =	vadd.f32 v8, v5  }
0x5b: {  	v8 =	vld [tilespmem:s15+$0x330]  }
0x5c: {  	v5 =	vadd.f32 v6, v5  }
0x5d: {  	v6 =	vld [tilespmem:s15+$0x440]  }
0x5e: {  	v5 =	vadd.f32 v7, v5  }
0x5f: {  	v7 =	vld [tilespmem:s15+$0x550]  }
0x60: {  	v5 =	vadd.f32 v8, v5  }
0x61: {  	v8 =	vld [tilespmem:s15+$0x660]  }
0x62: {  	v5 =	vadd.f32 v6, v5;
	_ =	sdelay $0x1  }
0x63: {  	v5 =	vadd.f32 v7, v5;
	_ =	sdelay $0x1  }
0x64: {  	v5 =	vadd.f32 v8, v5  }
0x65: {  	s14 =	simm.s32 $0x1D80  }
0x66: {  	s15 =	simm.s32 $0x1620;
	[tilespmem:s14+$0x0] =	vst v5  }
0x67: {  	v5 =	vld [tilespmem:s15+$0xFFFFF780]  }
0x68: {  	s16 =	simm.s32 $0x10;
	s17 =	simm.s32 $0x20;
	v6 =	vld [tilespmem:s15+$0xFFFFF670]  }
.LBB2_6:
0x69: {  	p1 =	sne.s32 s17, $0x100  }
0x6a: {  	v7 =	vld [tilespmem:s15+$0xFFFFF890];
	_ =	sdelay $0x1  }
0x6b: {  	v8 =	vld [tilespmem:s15+$0xFFFFF9A0]  }
0x6c: {  	v5 =	vadd.f32 v5, v6  }
0x6d: {  	v6 =	vld [tilespmem:s15+$0xFFFFFAB0]  }
0x6e: {  	v5 =	vadd.f32 v7, v5  }
0x6f: {  	v7 =	vld [tilespmem:s15+$0xFFFFFBC0]  }
0x70: {  	v5 =	vadd.f32 v8, v5  }
0x71: {  	v8 =	vld [tilespmem:s15+$0xFFFFFCD0]  }
0x72: {  	v5 =	vadd.f32 v6, v5  }
0x73: {  	v6 =	vld [tilespmem:s15+$0xFFFFFDE0]  }
0x74: {  	s18 =	sand.u32 $0x1F0, s16;
	s16 =	smov.u32 s17;
	v5 =	vadd.f32 v7, v5  }
0x75: {  	v7 =	vld [tilespmem:s18+$0x1500]  }
0x76: {  	v5 =	vadd.f32 v8, v5  }
0x77: {  	v8 =	vld [tilespmem:s15+$0x0]  }
0x78: {  	v5 =	vadd.f32 v6, v5  }
0x79: {  	v6 =	vld [tilespmem:s15+$0x110]  }
0x7a: {  	v5 =	vadd.f32 v7, v5  }
0x7b: {  	v7 =	vld [tilespmem:s15+$0x220]  }
0x7c: {  	v5 =	vadd.f32 v8, v5  }
0x7d: {  	v8 =	vld [tilespmem:s15+$0x330]  }
0x7e: {  	v5 =	vadd.f32 v6, v5  }
0x7f: {  	v6 =	vld [tilespmem:s15+$0x440]  }
0x80: {  	v5 =	vadd.f32 v7, v5  }
0x81: {  	v7 =	vld [tilespmem:s15+$0x550]  }
0x82: {  	v5 =	vadd.f32 v8, v5  }
0x83: {  	v8 =	vld [tilespmem:s15+$0x660]  }
0x84: {  	v5 =	vadd.f32 v6, v5;
	_ =	sdelay $0x1  }
0x85: {  	v5 =	vadd.f32 v7, v5;
	_ =	sdelay $0x1  }
.Ltmp4:
0x86: {  	v5 =	vadd.f32 v8, v5;
	(pc) =	sbr.rel @p1 .LBB2_6-.Ltmp4, $4  }
0x87: {  	s14 =	sadd.s32 $0x10, s14  }
0x88: {  	s15 =	sadd.s32 $0x10, s15;
	[tilespmem:s14+$0x0] =	vst v5  }
0x89: {  	v5 =	vld [tilespmem:s15+$0xFFFFF780]  }
0x8a: {  	s17 =	sadd.s32 $0x10, s17;
	v6 =	vld [tilespmem:s15+$0xFFFFF670]  }
0x8b: {  	_ = 	snop  }
0x8c: {  	v7 =	vld [tilespmem:s15+$0xFFFFF890];
	_ =	sdelay $0x1  }
0x8d: {  	v8 =	vld [tilespmem:s15+$0xFFFFF9A0]  }
0x8e: {  	v5 =	vadd.f32 v5, v6  }
0x8f: {  	v6 =	vld [tilespmem:s15+$0xFFFFFAB0]  }
0x90: {  	v5 =	vadd.f32 v7, v5  }
0x91: {  	v7 =	vld [tilespmem:s15+$0xFFFFFBC0]  }
0x92: {  	v5 =	vadd.f32 v8, v5  }
0x93: {  	v60 =	vld [tilespmem:s15+$0xFFFFFCD0]  }
0x94: {  	v5 =	vadd.f32 v6, v5  }
0x95: {  	v6 =	vld [tilespmem:s15+$0xFFFFFDE0]  }
0x96: {  	s16 =	sand.u32 $0x1F0, s16;
	v5 =	vadd.f32 v7, v5  }
0x97: {  	v7 =	vld [tilespmem:s16+$0x1500]  }
0x98: {  	v5 =	vadd.f32 v60, v5  }
0x99: {  	v61 =	vld [tilespmem:s15+$0x0]  }
0x9a: {  	v5 =	vadd.f32 v6, v5  }
0x9b: {  	v6 =	vld [tilespmem:s15+$0x110]  }
0x9c: {  	v5 =	vadd.f32 v7, v5  }
0x9d: {  	v7 =	vld [tilespmem:s15+$0x220]  }
0x9e: {  	v5 =	vadd.f32 v61, v5  }
0x9f: {  	v62 =	vld [tilespmem:s15+$0x330]  }
0xa0: {  	v5 =	vadd.f32 v6, v5  }
0xa1: {  	v6 =	vld [tilespmem:s15+$0x440]  }
0xa2: {  	v5 =	vadd.f32 v7, v5  }
0xa3: {  	v7 =	vld [tilespmem:s15+$0x550]  }
0xa4: {  	v5 =	vadd.f32 v62, v5  }
0xa5: {  	v63 =	vld [tilespmem:s15+$0x660]  }
0xa6: {  	v5 =	vadd.f32 v6, v5;
	_ =	sdelay $0x1  }
0xa7: {  	v5 =	vadd.f32 v7, v5;
	_ =	sdelay $0x1  }
0xa8: {  	v5 =	vadd.f32 v63, v5  }
0xa9: {  	s14 =	sadd.s32 $0x10, s14  }
0xaa: {  	[tilespmem:s14+$0x0] =	vst v5  }
0xab: {  	[spmem:s4] =	stream.linear.scatter [tilespmem:s9], [sflag:$0x1], $0x110, $0x38;
	[tilespmem:$0x3110] =	vst v63  }
.Ltmp5:
0xac: {  	_ =	swait.ge [sflag:s7], $0x110;
	(pc) =	sbr.rel @p0 .LBB2_11-.Ltmp5, $3  }
0xad: {  	[sflag:s7] =	ssyncset.done $0x0  }
0xae: {  	[sflag:s7] =	ssyncadd.s32 $0xFFFFFEF0  }
0xaf: {  	[bflag:$0x0] =	sbarrier.arrive $0xFFFF;
	_ =	sdelay $0x1  }
0xb0: {  	[tilespmem:s10], [sflag:$0x1] =	stream.linear.gather [spmem:s1], $0x1100, $0x38;
	[tilespmem:$0x3110] =	vst v63  }
0xb1: {  	_ =	swait.ge [sflag:s7], $0x1100  }
0xb2: {  	[sflag:s7] =	ssyncset.done $0x0  }
0xb3: {  	s14 =	simm.s32 $0x2890;
	[sflag:s7] =	ssyncadd.s32 $0xFFFFEF00  }
0xb4: {  	v5 =	vld [tilespmem:s14+$0xFFFFF780]  }
0xb5: {  	v6 =	vld [tilespmem:s14+$0xFFFFF670];
	_ =	sdelay $0x1  }
0xb6: {  	v7 =	vld [tilespmem:s14+$0xFFFFF890];
	_ =	sdelay $0x1  }
0xb7: {  	v8 =	vld [tilespmem:s14+$0xFFFFF9A0]  }
0xb8: {  	v5 =	vadd.f32 v5, v6  }
0xb9: {  	v6 =	vld [tilespmem:s14+$0xFFFFFAB0]  }
0xba: {  	v5 =	vadd.f32 v7, v5  }
0xbb: {  	v7 =	vld [tilespmem:s14+$0xFFFFFBC0]  }
0xbc: {  	v5 =	vadd.f32 v8, v5  }
0xbd: {  	v8 =	vld [tilespmem:s14+$0xFFFFFCD0]  }
0xbe: {  	v5 =	vadd.f32 v6, v5  }
0xbf: {  	s15 =	simm.s32 $0x0;
	v6 =	vld [tilespmem:s14+$0xFFFFFDE0]  }
0xc0: {  	s15 =	sand.u32 $0xF0, s15;
	v5 =	vadd.f32 v7, v5  }
0xc1: {  	v7 =	vld [tilespmem:s15+$0x2780]  }
0xc2: {  	v5 =	vadd.f32 v8, v5  }
0xc3: {  	v8 =	vld [tilespmem:s14+$0x0]  }
0xc4: {  	v5 =	vadd.f32 v6, v5  }
0xc5: {  	v6 =	vld [tilespmem:s14+$0x110]  }
0xc6: {  	v5 =	vadd.f32 v7, v5  }
0xc7: {  	v7 =	vld [tilespmem:s14+$0x220]  }
0xc8: {  	v5 =	vadd.f32 v8, v5  }
0xc9: {  	v8 =	vld [tilespmem:s14+$0x330]  }
0xca: {  	v5 =	vadd.f32 v6, v5  }
0xcb: {  	v6 =	vld [tilespmem:s14+$0x440]  }
0xcc: {  	v5 =	vadd.f32 v7, v5  }
0xcd: {  	v7 =	vld [tilespmem:s14+$0x550]  }
0xce: {  	v5 =	vadd.f32 v8, v5  }
0xcf: {  	v8 =	vld [tilespmem:s14+$0x660]  }
0xd0: {  	v5 =	vadd.f32 v6, v5;
	_ =	sdelay $0x1  }
0xd1: {  	v5 =	vadd.f32 v7, v5;
	_ =	sdelay $0x1  }
0xd2: {  	v5 =	vadd.f32 v8, v5  }
0xd3: {  	s14 =	simm.s32 $0x1D80  }
0xd4: {  	s15 =	simm.s32 $0x28A0;
	[tilespmem:s14+$0x0] =	vst v5  }
0xd5: {  	v5 =	vld [tilespmem:s15+$0xFFFFF780]  }
0xd6: {  	s16 =	simm.s32 $0x10;
	s17 =	simm.s32 $0x20;
	v6 =	vld [tilespmem:s15+$0xFFFFF670]  }
.LBB2_9:
0xd7: {  	p1 =	sne.s32 s17, $0xF0  }
0xd8: {  	v7 =	vld [tilespmem:s15+$0xFFFFF890];
	_ =	sdelay $0x1  }
0xd9: {  	v8 =	vld [tilespmem:s15+$0xFFFFF9A0]  }
0xda: {  	v5 =	vadd.f32 v5, v6  }
0xdb: {  	v6 =	vld [tilespmem:s15+$0xFFFFFAB0]  }
0xdc: {  	v5 =	vadd.f32 v7, v5  }
0xdd: {  	v7 =	vld [tilespmem:s15+$0xFFFFFBC0]  }
0xde: {  	v5 =	vadd.f32 v8, v5  }
0xdf: {  	v8 =	vld [tilespmem:s15+$0xFFFFFCD0]  }
0xe0: {  	v5 =	vadd.f32 v6, v5  }
0xe1: {  	v6 =	vld [tilespmem:s15+$0xFFFFFDE0]  }
0xe2: {  	s18 =	sand.u32 $0xF0, s16;
	s16 =	smov.u32 s17;
	v5 =	vadd.f32 v7, v5  }
0xe3: {  	v7 =	vld [tilespmem:s18+$0x2780]  }
0xe4: {  	v5 =	vadd.f32 v8, v5  }
0xe5: {  	v8 =	vld [tilespmem:s15+$0x0]  }
0xe6: {  	v5 =	vadd.f32 v6, v5  }
0xe7: {  	v6 =	vld [tilespmem:s15+$0x110]  }
0xe8: {  	v5 =	vadd.f32 v7, v5  }
0xe9: {  	v7 =	vld [tilespmem:s15+$0x220]  }
0xea: {  	v5 =	vadd.f32 v8, v5  }
0xeb: {  	v8 =	vld [tilespmem:s15+$0x330]  }
0xec: {  	v5 =	vadd.f32 v6, v5  }
0xed: {  	v6 =	vld [tilespmem:s15+$0x440]  }
0xee: {  	v5 =	vadd.f32 v7, v5  }
0xef: {  	v7 =	vld [tilespmem:s15+$0x550]  }
0xf0: {  	v5 =	vadd.f32 v8, v5  }
0xf1: {  	v8 =	vld [tilespmem:s15+$0x660]  }
0xf2: {  	v5 =	vadd.f32 v6, v5;
	_ =	sdelay $0x1  }
0xf3: {  	v5 =	vadd.f32 v7, v5;
	_ =	sdelay $0x1  }
.Ltmp6:
0xf4: {  	v5 =	vadd.f32 v8, v5;
	(pc) =	sbr.rel @p1 .LBB2_9-.Ltmp6, $4  }
0xf5: {  	s14 =	sadd.s32 $0x10, s14  }
0xf6: {  	s15 =	sadd.s32 $0x10, s15;
	[tilespmem:s14+$0x0] =	vst v5  }
0xf7: {  	v5 =	vld [tilespmem:s15+$0xFFFFF780]  }
0xf8: {  	s17 =	sadd.s32 $0x10, s17;
	v6 =	vld [tilespmem:s15+$0xFFFFF670]  }
.Ltmp7:
0xf9: {  	_ = 	snop;
	(pc) =	sbr.rel .LBB2_10-.Ltmp7, $1  }
0xfa: {  	_ =	sdelay $0x3  }
.LBB2_12:
0xfb: {  	_ =	sfence.sel $0x180000  }
0xfc: {  	[bflag:$0x0] =	sbarrier.arrive $0xFFFF  }
0xfd: {  	_ =	strace $0x90000047  }
0xfe: {  	s0 =	sadd.s32 @!p0 $0x100000, s0;
	[bflag:$0x2] =	sbarrier.arrive $0xFFFF  }
0xff: {  	[sflag:s0] =	ssyncadd.tile.s32 @!p0 $0x1;
	_ =	shalt  }
.Lfunc_end2:
_tile_overlayer_lowered:
.L_overlay_start_2:
0x100: {  	(tag) =	ssettag $0x2  }
0x101: {  	s0 =	rddreg [dreg:$0x0];
	s2 =	stileid.u32  }
0x102: {  	s1 =	rddreg [dreg:$0x1];
	p0 =	sne.s32 s2, $0x0  }
0x103: {  	s3 =	rddreg [dreg:$0x2];
	[bflag:$0x3] =	sbarrier.arrive $0xFFFF;
	s2 =	simm.s32 @!p0 $0x1C01  }
0x104: {  	[timem:s3], [sflag:s2] =	dma.local @!p0 [hbm:s0], s1  }
0x105: {  	s0 =	simm.s32 @!p0 $0x1  }
0x106: {  	_ =	swait.ge @!p0 [sflag:s0], s1  }
0x107: {  	s1 =	ssub.s32 @!p0 $0x0, s1;
	[sflag:s0] =	ssyncset.done @!p0 $0x0  }
0x108: {  	[sflag:s0] =	ssyncadd.s32 @!p0 s1  }
0x109: {  	[bflag:$0x3] =	sbarrier.arrive $0xFFFF  }
0x10a: {  	_ =	shalt  }

</sc_bundles>
